<compile_context>
chip_gen: v7x
topology: tpu7x:2x2x1
jax: 0.10.2.dev20260603
libtpu: 0.0.44.dev20260713+nightly
codegen_flags: <defaults>
</compile_context>

<pallas_src>
import functools

import jax
import jax.numpy as jnp
from jax import lax
from jax.experimental import pallas as pl
from jax.experimental.pallas import tpu as pltpu
from jax.experimental.pallas import tpu_sc as plsc

VOCAB = 100002
EMBED = 128
B, L = 4096, 200
N = B * L

_INFO = plsc.get_sparse_core_info()
NC, NS = _INFO.num_cores, _INFO.num_subcores
NW = NC * NS
PER_W = N // NW
CH = 128
N_CHUNKS = PER_W // CH
NBUF = 5
N_GROUPS = N_CHUNKS // NBUF


LAG = 3


def _gather_body(
    x_hbm, w_hbm, out_hbm, idx_v,
    r0, r1, r2, r3, r4, g0, g1, g2, g3, g4, s0, s1, s2, s3, s4,
):
    rows = (r0, r1, r2, r3, r4)
    gsem = (g0, g1, g2, g3, g4)
    ssem = (s0, s1, s2, s3, s4)
    wid = lax.axis_index("s") * NC + lax.axis_index("c")
    base = wid * PER_W
    pltpu.sync_copy(x_hbm.at[pl.ds(base, PER_W)], idx_v)

    def fire_gather(k, b):
        pltpu.async_copy(
            w_hbm.at[idx_v.at[pl.ds(k * CH, CH)]], rows[b], gsem[b]
        )

    def wait_gather(k, b):
        pltpu.make_async_copy(
            w_hbm.at[idx_v.at[pl.ds(k * CH, CH)]], rows[b], gsem[b]
        ).wait()

    def fire_store(k, b):
        pltpu.async_copy(
            rows[b], out_hbm.at[pl.ds(base + k * CH, CH)], ssem[b]
        )

    def wait_store(b):
        pltpu.make_async_copy(
            rows[b], out_hbm.at[pl.ds(base, CH)], ssem[b]
        ).wait()

    for b in range(LAG):
        fire_gather(b, b)

    def group(g, carry):
        for b in range(NBUF):
            k = g * NBUF + b
            h_b = (b + LAG) % NBUF

            @pl.when(k + LAG < N_CHUNKS)
            def _():
                @pl.when(k + LAG >= NBUF)
                def _():
                    wait_store(h_b)

                fire_gather(k + LAG, h_b)

            wait_gather(k, b)
            fire_store(k, b)
        return carry

    lax.fori_loop(0, N_GROUPS, group, 0)
    for b in range(NBUF):
        wait_store(b)


_gather = pl.kernel(
    _gather_body,
    out_type=jax.ShapeDtypeStruct((N, EMBED), jnp.float32),
    mesh=plsc.VectorSubcoreMesh(core_axis_name="c", subcore_axis_name="s"),
    scratch_types=[
        pltpu.VMEM((PER_W,), jnp.int32),
        pltpu.VMEM((CH, EMBED), jnp.float32),
        pltpu.VMEM((CH, EMBED), jnp.float32),
        pltpu.VMEM((CH, EMBED), jnp.float32),
        pltpu.VMEM((CH, EMBED), jnp.float32),
        pltpu.VMEM((CH, EMBED), jnp.float32),
        pltpu.SemaphoreType.DMA,
        pltpu.SemaphoreType.DMA,
        pltpu.SemaphoreType.DMA,
        pltpu.SemaphoreType.DMA,
        pltpu.SemaphoreType.DMA,
        pltpu.SemaphoreType.DMA,
        pltpu.SemaphoreType.DMA,
        pltpu.SemaphoreType.DMA,
        pltpu.SemaphoreType.DMA,
        pltpu.SemaphoreType.DMA,
    ],
)


def kernel(x, target, text_inputs, W):
    out = _gather(x.reshape(-1), W)
    return out.reshape(B, L, EMBED)

# --- scband reference (transcript-rebuilt; emitter-appended) ---
"""Pipeline reference for scband-word-rep-8701603741843 (READ-ONLY COPY).

The authoritative reference and input builder live on the scoring server;
editing this copy changes nothing except your own understanding.
"""

import jax, jax.numpy as jnp
import numpy as np

VOCAB = 100002
EMBED = 128
B, L = 4096, 200


def setup_inputs(seed: int = 0) -> dict:
    key = jax.random.key(seed)
    k1, k2 = jax.random.split(key)
    # token indices in [0, 100000)
    x = jax.random.randint(k1, (B, L), 0, 100000).astype(jnp.int32)
    # embedding table (nn.Embedding weight); padding_idx=0 row is zeros
    W = jax.random.normal(k2, (VOCAB, EMBED), dtype=jnp.float32)
    W = W.at[0].set(0.0)
    # target and text_inputs are unused in forward when use_elmo=False
    target = jnp.zeros((B,), dtype=jnp.int32)
    text_inputs = jnp.zeros((1,), dtype=jnp.int32)
    return {"x": x, "target": target, "text_inputs": text_inputs, "W": W}


def reference(x, target, text_inputs, W):
    # features = [self.embed(x)]  (use_elmo=False -> no elmo branch)
    feats = jnp.take(W, x, axis=0)  # [B, L, EMBED]
    # torch.cat(features, dim=2) with a single feature is identity
    # self.embed_drop is Dropout -> identity in eval / reference mode
    return feats

if __name__ == "__main__":
    import jax
    _d = setup_inputs()
    print(jax.jit(kernel)(*tuple(_d.values())))

</pallas_src>

<mosaic_0001>
#map = affine_map<(d0, d1) -> (0)>
#map1 = affine_map<(d0, d1) -> (0, 0)>
module attributes {stable_mosaic.version = 14 : i64} {
  func.func @_gather_body(%arg0: i32, %arg1: i32, %arg2: memref<819200xi32, #tpu.memory_space<hbm>>, %arg3: memref<100002x128xf32, #tpu.memory_space<hbm>>, %arg4: memref<819200x128xf32, #tpu.memory_space<hbm>>, %arg5: memref<25600xi32, #tpu.memory_space<vmem>>, %arg6: memref<128x128xf32, #tpu.memory_space<vmem>>, %arg7: memref<128x128xf32, #tpu.memory_space<vmem>>, %arg8: memref<128x128xf32, #tpu.memory_space<vmem>>, %arg9: memref<128x128xf32, #tpu.memory_space<vmem>>, %arg10: memref<128x128xf32, #tpu.memory_space<vmem>>, %arg11: memref<!tpu.dma_semaphore, #tpu.memory_space<semaphore_mem>>, %arg12: memref<!tpu.dma_semaphore, #tpu.memory_space<semaphore_mem>>, %arg13: memref<!tpu.dma_semaphore, #tpu.memory_space<semaphore_mem>>, %arg14: memref<!tpu.dma_semaphore, #tpu.memory_space<semaphore_mem>>, %arg15: memref<!tpu.dma_semaphore, #tpu.memory_space<semaphore_mem>>, %arg16: memref<!tpu.dma_semaphore, #tpu.memory_space<semaphore_mem>>, %arg17: memref<!tpu.dma_semaphore, #tpu.memory_space<semaphore_mem>>, %arg18: memref<!tpu.dma_semaphore, #tpu.memory_space<semaphore_mem>>, %arg19: memref<!tpu.dma_semaphore, #tpu.memory_space<semaphore_mem>>, %arg20: memref<!tpu.dma_semaphore, #tpu.memory_space<semaphore_mem>>) attributes {dimension_semantics = [#tpu.dimension_semantics<core_parallel>, #tpu.dimension_semantics<subcore_parallel>], iteration_bounds = array<i64: 2, 16>, scalar_prefetch = 0 : i64, scratch_operands = 16 : i64, tpu.core_type = #tpu.core_type<sc_vector_subcore>, window_params = [{transform_indices = #map}, {transform_indices = #map1}, {transform_indices = #map1}]} {
    %mul3A = arith.constant 2 : i32
    %mul3A_0 = arith.muli %arg1, %mul3A : i32
    %add3A = arith.addi %mul3A_0, %arg0 : i32
    %mul3A_1 = arith.constant 25600 : i32
    %mul3A_2 = arith.muli %add3A, %mul3A_1 : i32
    "tpu.region"() ({
      %run_scoped3A = tpu.sem_alloc : memref<!tpu.dma_semaphore, #tpu.memory_space<semaphore_mem>>
      %dma_start3A_41 = tpu.memref_slice %arg2[%mul3A_2] : memref<819200xi32, #tpu.memory_space<hbm>> -> memref<25600xi32, #tpu.memory_space<hbm>>
      %dma_start3A_42 = tpu.memref_slice %arg2[%mul3A_2] : memref<819200xi32, #tpu.memory_space<hbm>> -> memref<25600xi32, #tpu.memory_space<hbm>>
      tpu.enqueue_dma source(%dma_start3A_42 : memref<25600xi32, #tpu.memory_space<hbm>>) target(%arg5 : memref<25600xi32, #tpu.memory_space<vmem>>) target_semaphore(%run_scoped3A : memref<!tpu.dma_semaphore, #tpu.memory_space<semaphore_mem>>)
      %dma_wait3A_43 = tpu.memref_slice %arg2[%mul3A_2] : memref<819200xi32, #tpu.memory_space<hbm>> -> memref<25600xi32, #tpu.memory_space<hbm>>
      %dma_wait3A_44 = tpu.memref_slice %arg2[%mul3A_2] : memref<819200xi32, #tpu.memory_space<hbm>> -> memref<25600xi32, #tpu.memory_space<hbm>>
      tpu.wait_dma2 semaphore(%run_scoped3A : memref<!tpu.dma_semaphore, #tpu.memory_space<semaphore_mem>>) src(%dma_wait3A_44 : memref<25600xi32, #tpu.memory_space<hbm>>) dst(%arg5 : memref<25600xi32, #tpu.memory_space<vmem>>)
      tpu.yield
    }) : () -> ()
    %dma_start3A = arith.constant 0 : i32
    %dma_start3A_3 = tpu.memref_slice %arg5[%dma_start3A] : memref<25600xi32, #tpu.memory_space<vmem>> -> memref<128xi32, #tpu.memory_space<vmem>>
    %dma_start3A_4 = arith.constant 0 : i32
    %dma_start3A_5 = arith.constant 0 : i32
    %dma_start3A_6 = tpu.memref_slice %arg3[%dma_start3A_4, %dma_start3A_5] : memref<100002x128xf32, #tpu.memory_space<hbm>> -> memref<100002x128xf32, #tpu.memory_space<hbm>>
    tpu.enqueue_indirect_dma source(%dma_start3A_6 : memref<100002x128xf32, #tpu.memory_space<hbm>>) target(%arg6 : memref<128x128xf32, #tpu.memory_space<vmem>>) offsets(%dma_start3A_3 : memref<128xi32, #tpu.memory_space<vmem>>) semaphore(%arg11 : memref<!tpu.dma_semaphore, #tpu.memory_space<semaphore_mem>>)
    %dma_start3A_7 = arith.constant 128 : i32
    %dma_start3A_8 = tpu.memref_slice %arg5[%dma_start3A_7] : memref<25600xi32, #tpu.memory_space<vmem>> -> memref<128xi32, #tpu.memory_space<vmem>>
    %dma_start3A_9 = arith.constant 0 : i32
    %dma_start3A_10 = arith.constant 0 : i32
    %dma_start3A_11 = tpu.memref_slice %arg3[%dma_start3A_9, %dma_start3A_10] : memref<100002x128xf32, #tpu.memory_space<hbm>> -> memref<100002x128xf32, #tpu.memory_space<hbm>>
    tpu.enqueue_indirect_dma source(%dma_start3A_11 : memref<100002x128xf32, #tpu.memory_space<hbm>>) target(%arg7 : memref<128x128xf32, #tpu.memory_space<vmem>>) offsets(%dma_start3A_8 : memref<128xi32, #tpu.memory_space<vmem>>) semaphore(%arg12 : memref<!tpu.dma_semaphore, #tpu.memory_space<semaphore_mem>>)
    %dma_start3A_12 = arith.constant 256 : i32
    %dma_start3A_13 = tpu.memref_slice %arg5[%dma_start3A_12] : memref<25600xi32, #tpu.memory_space<vmem>> -> memref<128xi32, #tpu.memory_space<vmem>>
    %dma_start3A_14 = arith.constant 0 : i32
    %dma_start3A_15 = arith.constant 0 : i32
    %dma_start3A_16 = tpu.memref_slice %arg3[%dma_start3A_14, %dma_start3A_15] : memref<100002x128xf32, #tpu.memory_space<hbm>> -> memref<100002x128xf32, #tpu.memory_space<hbm>>
    tpu.enqueue_indirect_dma source(%dma_start3A_16 : memref<100002x128xf32, #tpu.memory_space<hbm>>) target(%arg8 : memref<128x128xf32, #tpu.memory_space<vmem>>) offsets(%dma_start3A_13 : memref<128xi32, #tpu.memory_space<vmem>>) semaphore(%arg13 : memref<!tpu.dma_semaphore, #tpu.memory_space<semaphore_mem>>)
    %scan3A = arith.constant 0 : i32
    %scan3A_17 = arith.constant 0 : i32
    %scan3A_18 = arith.constant 40 : i32
    %scan3A_19 = arith.addi %scan3A_17, %scan3A_18 : i32
    %scan3A_20 = arith.constant 1 : i32
    scf.for %scan3A_41 = %scan3A_17 to %scan3A_19 step %scan3A_20  : i32 {
      %mul3A_42 = arith.constant 5 : i32
      %mul3A_43 = arith.muli %scan3A_41, %mul3A_42 : i32
      %add3A_44 = arith.constant 0 : i32
      %add3A_45 = arith.addi %mul3A_43, %add3A_44 : i32
      %add3A_46 = arith.constant 3 : i32
      %add3A_47 = arith.addi %add3A_45, %add3A_46 : i32
      %lt3A = arith.constant 200 : i32
      %lt3A_48 = arith.cmpi slt, %add3A_47, %lt3A : i32
      %convert_element_type3A = arith.extui %lt3A_48 : i1 to i32
      %cond3A = arith.constant 0 : i32
      %cond3A_49 = arith.cmpi ne, %convert_element_type3A, %cond3A : i32
      scf.if %cond3A_49 {
        %add3A_159 = arith.constant 3 : i32
        %add3A_160 = arith.addi %add3A_45, %add3A_159 : i32
        %ge3A = arith.constant 5 : i32
        %ge3A_161 = arith.cmpi sge, %add3A_160, %ge3A : i32
        %convert_element_type3A_162 = arith.extui %ge3A_161 : i1 to i32
        %cond3A_163 = arith.constant 0 : i32
        %cond3A_164 = arith.cmpi ne, %convert_element_type3A_162, %cond3A_163 : i32
        scf.if %cond3A_164 {
          %dma_wait3A_173 = arith.constant 0 : i32
          %dma_wait3A_174 = tpu.memref_slice %arg4[%mul3A_2, %dma_wait3A_173] : memref<819200x128xf32, #tpu.memory_space<hbm>> -> memref<128x128xf32, #tpu.memory_space<hbm>>
          %dma_wait3A_175 = arith.constant 0 : i32
          %dma_wait3A_176 = tpu.memref_slice %arg4[%mul3A_2, %dma_wait3A_175] : memref<819200x128xf32, #tpu.memory_space<hbm>> -> memref<128x128xf32, #tpu.memory_space<hbm>>
          tpu.wait_dma2 semaphore(%arg19 : memref<!tpu.dma_semaphore, #tpu.memory_space<semaphore_mem>>) src(%arg9 : memref<128x128xf32, #tpu.memory_space<vmem>>) dst(%dma_wait3A_176 : memref<128x128xf32, #tpu.memory_space<hbm>>)
        } else {
        }
        %add3A_165 = arith.constant 3 : i32
        %add3A_166 = arith.addi %add3A_45, %add3A_165 : i32
        %mul3A_167 = arith.constant 128 : i32
        %mul3A_168 = arith.muli %add3A_166, %mul3A_167 : i32
        %dma_start3A_169 = tpu.memref_slice %arg5[%mul3A_168] : memref<25600xi32, #tpu.memory_space<vmem>> -> memref<128xi32, #tpu.memory_space<vmem>>
        %dma_start3A_170 = arith.constant 0 : i32
        %dma_start3A_171 = arith.constant 0 : i32
        %dma_start3A_172 = tpu.memref_slice %arg3[%dma_start3A_170, %dma_start3A_171] : memref<100002x128xf32, #tpu.memory_space<hbm>> -> memref<100002x128xf32, #tpu.memory_space<hbm>>
        tpu.enqueue_indirect_dma source(%dma_start3A_172 : memref<100002x128xf32, #tpu.memory_space<hbm>>) target(%arg9 : memref<128x128xf32, #tpu.memory_space<vmem>>) offsets(%dma_start3A_169 : memref<128xi32, #tpu.memory_space<vmem>>) semaphore(%arg14 : memref<!tpu.dma_semaphore, #tpu.memory_space<semaphore_mem>>)
      } else {
      }
      %mul3A_50 = arith.constant 128 : i32
      %mul3A_51 = arith.muli %add3A_45, %mul3A_50 : i32
      %dma_wait3A_52 = tpu.memref_slice %arg5[%mul3A_51] : memref<25600xi32, #tpu.memory_space<vmem>> -> memref<128xi32, #tpu.memory_space<vmem>>
      %dma_wait3A_53 = arith.constant 0 : i32
      %dma_wait3A_54 = arith.constant 0 : i32
      %dma_wait3A_55 = tpu.memref_slice %arg3[%dma_wait3A_53, %dma_wait3A_54] : memref<100002x128xf32, #tpu.memory_space<hbm>> -> memref<100002x128xf32, #tpu.memory_space<hbm>>
      tpu.wait_indirect_dma semaphore(%arg11 : memref<!tpu.dma_semaphore, #tpu.memory_space<semaphore_mem>>) src(%dma_wait3A_55 : memref<100002x128xf32, #tpu.memory_space<hbm>>) dst(%arg6 : memref<128x128xf32, #tpu.memory_space<vmem>>)
      %mul3A_56 = arith.constant 128 : i32
      %mul3A_57 = arith.muli %add3A_45, %mul3A_56 : i32
      %add3A_58 = arith.addi %mul3A_2, %mul3A_57 : i32
      %dma_start3A_59 = arith.constant 0 : i32
      %dma_start3A_60 = tpu.memref_slice %arg4[%add3A_58, %dma_start3A_59] : memref<819200x128xf32, #tpu.memory_space<hbm>> -> memref<128x128xf32, #tpu.memory_space<hbm>>
      %dma_start3A_61 = arith.constant 0 : i32
      %dma_start3A_62 = tpu.memref_slice %arg4[%add3A_58, %dma_start3A_61] : memref<819200x128xf32, #tpu.memory_space<hbm>> -> memref<128x128xf32, #tpu.memory_space<hbm>>
      tpu.enqueue_dma source(%arg6 : memref<128x128xf32, #tpu.memory_space<vmem>>) target(%dma_start3A_62 : memref<128x128xf32, #tpu.memory_space<hbm>>) target_semaphore(%arg16 : memref<!tpu.dma_semaphore, #tpu.memory_space<semaphore_mem>>)
      %mul3A_63 = arith.constant 5 : i32
      %mul3A_64 = arith.muli %scan3A_41, %mul3A_63 : i32
      %add3A_65 = arith.constant 1 : i32
      %add3A_66 = arith.addi %mul3A_64, %add3A_65 : i32
      %add3A_67 = arith.constant 3 : i32
      %add3A_68 = arith.addi %add3A_66, %add3A_67 : i32
      %lt3A_69 = arith.constant 200 : i32
      %lt3A_70 = arith.cmpi slt, %add3A_68, %lt3A_69 : i32
      %convert_element_type3A_71 = arith.extui %lt3A_70 : i1 to i32
      %cond3A_72 = arith.constant 0 : i32
      %cond3A_73 = arith.cmpi ne, %convert_element_type3A_71, %cond3A_72 : i32
      scf.if %cond3A_73 {
        %add3A_159 = arith.constant 3 : i32
        %add3A_160 = arith.addi %add3A_66, %add3A_159 : i32
        %ge3A = arith.constant 5 : i32
        %ge3A_161 = arith.cmpi sge, %add3A_160, %ge3A : i32
        %convert_element_type3A_162 = arith.extui %ge3A_161 : i1 to i32
        %cond3A_163 = arith.constant 0 : i32
        %cond3A_164 = arith.cmpi ne, %convert_element_type3A_162, %cond3A_163 : i32
        scf.if %cond3A_164 {
          %dma_wait3A_173 = arith.constant 0 : i32
          %dma_wait3A_174 = tpu.memref_slice %arg4[%mul3A_2, %dma_wait3A_173] : memref<819200x128xf32, #tpu.memory_space<hbm>> -> memref<128x128xf32, #tpu.memory_space<hbm>>
          %dma_wait3A_175 = arith.constant 0 : i32
          %dma_wait3A_176 = tpu.memref_slice %arg4[%mul3A_2, %dma_wait3A_175] : memref<819200x128xf32, #tpu.memory_space<hbm>> -> memref<128x128xf32, #tpu.memory_space<hbm>>
          tpu.wait_dma2 semaphore(%arg20 : memref<!tpu.dma_semaphore, #tpu.memory_space<semaphore_mem>>) src(%arg10 : memref<128x128xf32, #tpu.memory_space<vmem>>) dst(%dma_wait3A_176 : memref<128x128xf32, #tpu.memory_space<hbm>>)
        } else {
        }
        %add3A_165 = arith.constant 3 : i32
        %add3A_166 = arith.addi %add3A_66, %add3A_165 : i32
        %mul3A_167 = arith.constant 128 : i32
        %mul3A_168 = arith.muli %add3A_166, %mul3A_167 : i32
        %dma_start3A_169 = tpu.memref_slice %arg5[%mul3A_168] : memref<25600xi32, #tpu.memory_space<vmem>> -> memref<128xi32, #tpu.memory_space<vmem>>
        %dma_start3A_170 = arith.constant 0 : i32
        %dma_start3A_171 = arith.constant 0 : i32
        %dma_start3A_172 = tpu.memref_slice %arg3[%dma_start3A_170, %dma_start3A_171] : memref<100002x128xf32, #tpu.memory_space<hbm>> -> memref<100002x128xf32, #tpu.memory_space<hbm>>
        tpu.enqueue_indirect_dma source(%dma_start3A_172 : memref<100002x128xf32, #tpu.memory_space<hbm>>) target(%arg10 : memref<128x128xf32, #tpu.memory_space<vmem>>) offsets(%dma_start3A_169 : memref<128xi32, #tpu.memory_space<vmem>>) semaphore(%arg15 : memref<!tpu.dma_semaphore, #tpu.memory_space<semaphore_mem>>)
      } else {
      }
      %mul3A_74 = arith.constant 128 : i32
      %mul3A_75 = arith.muli %add3A_66, %mul3A_74 : i32
      %dma_wait3A_76 = tpu.memref_slice %arg5[%mul3A_75] : memref<25600xi32, #tpu.memory_space<vmem>> -> memref<128xi32, #tpu.memory_space<vmem>>
      %dma_wait3A_77 = arith.constant 0 : i32
      %dma_wait3A_78 = arith.constant 0 : i32
      %dma_wait3A_79 = tpu.memref_slice %arg3[%dma_wait3A_77, %dma_wait3A_78] : memref<100002x128xf32, #tpu.memory_space<hbm>> -> memref<100002x128xf32, #tpu.memory_space<hbm>>
      tpu.wait_indirect_dma semaphore(%arg12 : memref<!tpu.dma_semaphore, #tpu.memory_space<semaphore_mem>>) src(%dma_wait3A_79 : memref<100002x128xf32, #tpu.memory_space<hbm>>) dst(%arg7 : memref<128x128xf32, #tpu.memory_space<vmem>>)
      %mul3A_80 = arith.constant 128 : i32
      %mul3A_81 = arith.muli %add3A_66, %mul3A_80 : i32
      %add3A_82 = arith.addi %mul3A_2, %mul3A_81 : i32
      %dma_start3A_83 = arith.constant 0 : i32
      %dma_start3A_84 = tpu.memref_slice %arg4[%add3A_82, %dma_start3A_83] : memref<819200x128xf32, #tpu.memory_space<hbm>> -> memref<128x128xf32, #tpu.memory_space<hbm>>
      %dma_start3A_85 = arith.constant 0 : i32
      %dma_start3A_86 = tpu.memref_slice %arg4[%add3A_82, %dma_start3A_85] : memref<819200x128xf32, #tpu.memory_space<hbm>> -> memref<128x128xf32, #tpu.memory_space<hbm>>
      tpu.enqueue_dma source(%arg7 : memref<128x128xf32, #tpu.memory_space<vmem>>) target(%dma_start3A_86 : memref<128x128xf32, #tpu.memory_space<hbm>>) target_semaphore(%arg17 : memref<!tpu.dma_semaphore, #tpu.memory_space<semaphore_mem>>)
      %mul3A_87 = arith.constant 5 : i32
      %mul3A_88 = arith.muli %scan3A_41, %mul3A_87 : i32
      %add3A_89 = arith.constant 2 : i32
      %add3A_90 = arith.addi %mul3A_88, %add3A_89 : i32
      %add3A_91 = arith.constant 3 : i32
      %add3A_92 = arith.addi %add3A_90, %add3A_91 : i32
      %lt3A_93 = arith.constant 200 : i32
      %lt3A_94 = arith.cmpi slt, %add3A_92, %lt3A_93 : i32
      %convert_element_type3A_95 = arith.extui %lt3A_94 : i1 to i32
      %cond3A_96 = arith.constant 0 : i32
      %cond3A_97 = arith.cmpi ne, %convert_element_type3A_95, %cond3A_96 : i32
      scf.if %cond3A_97 {
        %add3A_159 = arith.constant 3 : i32
        %add3A_160 = arith.addi %add3A_90, %add3A_159 : i32
        %ge3A = arith.constant 5 : i32
        %ge3A_161 = arith.cmpi sge, %add3A_160, %ge3A : i32
        %convert_element_type3A_162 = arith.extui %ge3A_161 : i1 to i32
        %cond3A_163 = arith.constant 0 : i32
        %cond3A_164 = arith.cmpi ne, %convert_element_type3A_162, %cond3A_163 : i32
        scf.if %cond3A_164 {
          %dma_wait3A_173 = arith.constant 0 : i32
          %dma_wait3A_174 = tpu.memref_slice %arg4[%mul3A_2, %dma_wait3A_173] : memref<819200x128xf32, #tpu.memory_space<hbm>> -> memref<128x128xf32, #tpu.memory_space<hbm>>
          %dma_wait3A_175 = arith.constant 0 : i32
          %dma_wait3A_176 = tpu.memref_slice %arg4[%mul3A_2, %dma_wait3A_175] : memref<819200x128xf32, #tpu.memory_space<hbm>> -> memref<128x128xf32, #tpu.memory_space<hbm>>
          tpu.wait_dma2 semaphore(%arg16 : memref<!tpu.dma_semaphore, #tpu.memory_space<semaphore_mem>>) src(%arg6 : memref<128x128xf32, #tpu.memory_space<vmem>>) dst(%dma_wait3A_176 : memref<128x128xf32, #tpu.memory_space<hbm>>)
        } else {
        }
        %add3A_165 = arith.constant 3 : i32
        %add3A_166 = arith.addi %add3A_90, %add3A_165 : i32
        %mul3A_167 = arith.constant 128 : i32
        %mul3A_168 = arith.muli %add3A_166, %mul3A_167 : i32
        %dma_start3A_169 = tpu.memref_slice %arg5[%mul3A_168] : memref<25600xi32, #tpu.memory_space<vmem>> -> memref<128xi32, #tpu.memory_space<vmem>>
        %dma_start3A_170 = arith.constant 0 : i32
        %dma_start3A_171 = arith.constant 0 : i32
        %dma_start3A_172 = tpu.memref_slice %arg3[%dma_start3A_170, %dma_start3A_171] : memref<100002x128xf32, #tpu.memory_space<hbm>> -> memref<100002x128xf32, #tpu.memory_space<hbm>>
        tpu.enqueue_indirect_dma source(%dma_start3A_172 : memref<100002x128xf32, #tpu.memory_space<hbm>>) target(%arg6 : memref<128x128xf32, #tpu.memory_space<vmem>>) offsets(%dma_start3A_169 : memref<128xi32, #tpu.memory_space<vmem>>) semaphore(%arg11 : memref<!tpu.dma_semaphore, #tpu.memory_space<semaphore_mem>>)
      } else {
      }
      %mul3A_98 = arith.constant 128 : i32
      %mul3A_99 = arith.muli %add3A_90, %mul3A_98 : i32
      %dma_wait3A_100 = tpu.memref_slice %arg5[%mul3A_99] : memref<25600xi32, #tpu.memory_space<vmem>> -> memref<128xi32, #tpu.memory_space<vmem>>
      %dma_wait3A_101 = arith.constant 0 : i32
      %dma_wait3A_102 = arith.constant 0 : i32
      %dma_wait3A_103 = tpu.memref_slice %arg3[%dma_wait3A_101, %dma_wait3A_102] : memref<100002x128xf32, #tpu.memory_space<hbm>> -> memref<100002x128xf32, #tpu.memory_space<hbm>>
      tpu.wait_indirect_dma semaphore(%arg13 : memref<!tpu.dma_semaphore, #tpu.memory_space<semaphore_mem>>) src(%dma_wait3A_103 : memref<100002x128xf32, #tpu.memory_space<hbm>>) dst(%arg8 : memref<128x128xf32, #tpu.memory_space<vmem>>)
      %mul3A_104 = arith.constant 128 : i32
      %mul3A_105 = arith.muli %add3A_90, %mul3A_104 : i32
      %add3A_106 = arith.addi %mul3A_2, %mul3A_105 : i32
      %dma_start3A_107 = arith.constant 0 : i32
      %dma_start3A_108 = tpu.memref_slice %arg4[%add3A_106, %dma_start3A_107] : memref<819200x128xf32, #tpu.memory_space<hbm>> -> memref<128x128xf32, #tpu.memory_space<hbm>>
      %dma_start3A_109 = arith.constant 0 : i32
      %dma_start3A_110 = tpu.memref_slice %arg4[%add3A_106, %dma_start3A_109] : memref<819200x128xf32, #tpu.memory_space<hbm>> -> memref<128x128xf32, #tpu.memory_space<hbm>>
      tpu.enqueue_dma source(%arg8 : memref<128x128xf32, #tpu.memory_space<vmem>>) target(%dma_start3A_110 : memref<128x128xf32, #tpu.memory_space<hbm>>) target_semaphore(%arg18 : memref<!tpu.dma_semaphore, #tpu.memory_space<semaphore_mem>>)
      %mul3A_111 = arith.constant 5 : i32
      %mul3A_112 = arith.muli %scan3A_41, %mul3A_111 : i32
      %add3A_113 = arith.constant 3 : i32
      %add3A_114 = arith.addi %mul3A_112, %add3A_113 : i32
      %add3A_115 = arith.constant 3 : i32
      %add3A_116 = arith.addi %add3A_114, %add3A_115 : i32
      %lt3A_117 = arith.constant 200 : i32
      %lt3A_118 = arith.cmpi slt, %add3A_116, %lt3A_117 : i32
      %convert_element_type3A_119 = arith.extui %lt3A_118 : i1 to i32
      %cond3A_120 = arith.constant 0 : i32
      %cond3A_121 = arith.cmpi ne, %convert_element_type3A_119, %cond3A_120 : i32
      scf.if %cond3A_121 {
        %add3A_159 = arith.constant 3 : i32
        %add3A_160 = arith.addi %add3A_114, %add3A_159 : i32
        %ge3A = arith.constant 5 : i32
        %ge3A_161 = arith.cmpi sge, %add3A_160, %ge3A : i32
        %convert_element_type3A_162 = arith.extui %ge3A_161 : i1 to i32
        %cond3A_163 = arith.constant 0 : i32
        %cond3A_164 = arith.cmpi ne, %convert_element_type3A_162, %cond3A_163 : i32
        scf.if %cond3A_164 {
          %dma_wait3A_173 = arith.constant 0 : i32
          %dma_wait3A_174 = tpu.memref_slice %arg4[%mul3A_2, %dma_wait3A_173] : memref<819200x128xf32, #tpu.memory_space<hbm>> -> memref<128x128xf32, #tpu.memory_space<hbm>>
          %dma_wait3A_175 = arith.constant 0 : i32
          %dma_wait3A_176 = tpu.memref_slice %arg4[%mul3A_2, %dma_wait3A_175] : memref<819200x128xf32, #tpu.memory_space<hbm>> -> memref<128x128xf32, #tpu.memory_space<hbm>>
          tpu.wait_dma2 semaphore(%arg17 : memref<!tpu.dma_semaphore, #tpu.memory_space<semaphore_mem>>) src(%arg7 : memref<128x128xf32, #tpu.memory_space<vmem>>) dst(%dma_wait3A_176 : memref<128x128xf32, #tpu.memory_space<hbm>>)
        } else {
        }
        %add3A_165 = arith.constant 3 : i32
        %add3A_166 = arith.addi %add3A_114, %add3A_165 : i32
        %mul3A_167 = arith.constant 128 : i32
        %mul3A_168 = arith.muli %add3A_166, %mul3A_167 : i32
        %dma_start3A_169 = tpu.memref_slice %arg5[%mul3A_168] : memref<25600xi32, #tpu.memory_space<vmem>> -> memref<128xi32, #tpu.memory_space<vmem>>
        %dma_start3A_170 = arith.constant 0 : i32
        %dma_start3A_171 = arith.constant 0 : i32
        %dma_start3A_172 = tpu.memref_slice %arg3[%dma_start3A_170, %dma_start3A_171] : memref<100002x128xf32, #tpu.memory_space<hbm>> -> memref<100002x128xf32, #tpu.memory_space<hbm>>
        tpu.enqueue_indirect_dma source(%dma_start3A_172 : memref<100002x128xf32, #tpu.memory_space<hbm>>) target(%arg7 : memref<128x128xf32, #tpu.memory_space<vmem>>) offsets(%dma_start3A_169 : memref<128xi32, #tpu.memory_space<vmem>>) semaphore(%arg12 : memref<!tpu.dma_semaphore, #tpu.memory_space<semaphore_mem>>)
      } else {
      }
      %mul3A_122 = arith.constant 128 : i32
      %mul3A_123 = arith.muli %add3A_114, %mul3A_122 : i32
      %dma_wait3A_124 = tpu.memref_slice %arg5[%mul3A_123] : memref<25600xi32, #tpu.memory_space<vmem>> -> memref<128xi32, #tpu.memory_space<vmem>>
      %dma_wait3A_125 = arith.constant 0 : i32
      %dma_wait3A_126 = arith.constant 0 : i32
      %dma_wait3A_127 = tpu.memref_slice %arg3[%dma_wait3A_125, %dma_wait3A_126] : memref<100002x128xf32, #tpu.memory_space<hbm>> -> memref<100002x128xf32, #tpu.memory_space<hbm>>
      tpu.wait_indirect_dma semaphore(%arg14 : memref<!tpu.dma_semaphore, #tpu.memory_space<semaphore_mem>>) src(%dma_wait3A_127 : memref<100002x128xf32, #tpu.memory_space<hbm>>) dst(%arg9 : memref<128x128xf32, #tpu.memory_space<vmem>>)
      %mul3A_128 = arith.constant 128 : i32
      %mul3A_129 = arith.muli %add3A_114, %mul3A_128 : i32
      %add3A_130 = arith.addi %mul3A_2, %mul3A_129 : i32
      %dma_start3A_131 = arith.constant 0 : i32
      %dma_start3A_132 = tpu.memref_slice %arg4[%add3A_130, %dma_start3A_131] : memref<819200x128xf32, #tpu.memory_space<hbm>> -> memref<128x128xf32, #tpu.memory_space<hbm>>
      %dma_start3A_133 = arith.constant 0 : i32
      %dma_start3A_134 = tpu.memref_slice %arg4[%add3A_130, %dma_start3A_133] : memref<819200x128xf32, #tpu.memory_space<hbm>> -> memref<128x128xf32, #tpu.memory_space<hbm>>
      tpu.enqueue_dma source(%arg9 : memref<128x128xf32, #tpu.memory_space<vmem>>) target(%dma_start3A_134 : memref<128x128xf32, #tpu.memory_space<hbm>>) target_semaphore(%arg19 : memref<!tpu.dma_semaphore, #tpu.memory_space<semaphore_mem>>)
      %mul3A_135 = arith.constant 5 : i32
      %mul3A_136 = arith.muli %scan3A_41, %mul3A_135 : i32
      %add3A_137 = arith.constant 4 : i32
      %add3A_138 = arith.addi %mul3A_136, %add3A_137 : i32
      %add3A_139 = arith.constant 3 : i32
      %add3A_140 = arith.addi %add3A_138, %add3A_139 : i32
      %lt3A_141 = arith.constant 200 : i32
      %lt3A_142 = arith.cmpi slt, %add3A_140, %lt3A_141 : i32
      %convert_element_type3A_143 = arith.extui %lt3A_142 : i1 to i32
      %cond3A_144 = arith.constant 0 : i32
      %cond3A_145 = arith.cmpi ne, %convert_element_type3A_143, %cond3A_144 : i32
      scf.if %cond3A_145 {
        %add3A_159 = arith.constant 3 : i32
        %add3A_160 = arith.addi %add3A_138, %add3A_159 : i32
        %ge3A = arith.constant 5 : i32
        %ge3A_161 = arith.cmpi sge, %add3A_160, %ge3A : i32
        %convert_element_type3A_162 = arith.extui %ge3A_161 : i1 to i32
        %cond3A_163 = arith.constant 0 : i32
        %cond3A_164 = arith.cmpi ne, %convert_element_type3A_162, %cond3A_163 : i32
        scf.if %cond3A_164 {
          %dma_wait3A_173 = arith.constant 0 : i32
          %dma_wait3A_174 = tpu.memref_slice %arg4[%mul3A_2, %dma_wait3A_173] : memref<819200x128xf32, #tpu.memory_space<hbm>> -> memref<128x128xf32, #tpu.memory_space<hbm>>
          %dma_wait3A_175 = arith.constant 0 : i32
          %dma_wait3A_176 = tpu.memref_slice %arg4[%mul3A_2, %dma_wait3A_175] : memref<819200x128xf32, #tpu.memory_space<hbm>> -> memref<128x128xf32, #tpu.memory_space<hbm>>
          tpu.wait_dma2 semaphore(%arg18 : memref<!tpu.dma_semaphore, #tpu.memory_space<semaphore_mem>>) src(%arg8 : memref<128x128xf32, #tpu.memory_space<vmem>>) dst(%dma_wait3A_176 : memref<128x128xf32, #tpu.memory_space<hbm>>)
        } else {
        }
        %add3A_165 = arith.constant 3 : i32
        %add3A_166 = arith.addi %add3A_138, %add3A_165 : i32
        %mul3A_167 = arith.constant 128 : i32
        %mul3A_168 = arith.muli %add3A_166, %mul3A_167 : i32
        %dma_start3A_169 = tpu.memref_slice %arg5[%mul3A_168] : memref<25600xi32, #tpu.memory_space<vmem>> -> memref<128xi32, #tpu.memory_space<vmem>>
        %dma_start3A_170 = arith.constant 0 : i32
        %dma_start3A_171 = arith.constant 0 : i32
        %dma_start3A_172 = tpu.memref_slice %arg3[%dma_start3A_170, %dma_start3A_171] : memref<100002x128xf32, #tpu.memory_space<hbm>> -> memref<100002x128xf32, #tpu.memory_space<hbm>>
        tpu.enqueue_indirect_dma source(%dma_start3A_172 : memref<100002x128xf32, #tpu.memory_space<hbm>>) target(%arg8 : memref<128x128xf32, #tpu.memory_space<vmem>>) offsets(%dma_start3A_169 : memref<128xi32, #tpu.memory_space<vmem>>) semaphore(%arg13 : memref<!tpu.dma_semaphore, #tpu.memory_space<semaphore_mem>>)
      } else {
      }
      %mul3A_146 = arith.constant 128 : i32
      %mul3A_147 = arith.muli %add3A_138, %mul3A_146 : i32
      %dma_wait3A_148 = tpu.memref_slice %arg5[%mul3A_147] : memref<25600xi32, #tpu.memory_space<vmem>> -> memref<128xi32, #tpu.memory_space<vmem>>
      %dma_wait3A_149 = arith.constant 0 : i32
      %dma_wait3A_150 = arith.constant 0 : i32
      %dma_wait3A_151 = tpu.memref_slice %arg3[%dma_wait3A_149, %dma_wait3A_150] : memref<100002x128xf32, #tpu.memory_space<hbm>> -> memref<100002x128xf32, #tpu.memory_space<hbm>>
      tpu.wait_indirect_dma semaphore(%arg15 : memref<!tpu.dma_semaphore, #tpu.memory_space<semaphore_mem>>) src(%dma_wait3A_151 : memref<100002x128xf32, #tpu.memory_space<hbm>>) dst(%arg10 : memref<128x128xf32, #tpu.memory_space<vmem>>)
      %mul3A_152 = arith.constant 128 : i32
      %mul3A_153 = arith.muli %add3A_138, %mul3A_152 : i32
      %add3A_154 = arith.addi %mul3A_2, %mul3A_153 : i32
      %dma_start3A_155 = arith.constant 0 : i32
      %dma_start3A_156 = tpu.memref_slice %arg4[%add3A_154, %dma_start3A_155] : memref<819200x128xf32, #tpu.memory_space<hbm>> -> memref<128x128xf32, #tpu.memory_space<hbm>>
      %dma_start3A_157 = arith.constant 0 : i32
      %dma_start3A_158 = tpu.memref_slice %arg4[%add3A_154, %dma_start3A_157] : memref<819200x128xf32, #tpu.memory_space<hbm>> -> memref<128x128xf32, #tpu.memory_space<hbm>>
      tpu.enqueue_dma source(%arg10 : memref<128x128xf32, #tpu.memory_space<vmem>>) target(%dma_start3A_158 : memref<128x128xf32, #tpu.memory_space<hbm>>) target_semaphore(%arg20 : memref<!tpu.dma_semaphore, #tpu.memory_space<semaphore_mem>>)
    }
    %scan3A_21 = arith.constant 40 : i32
    %dma_wait3A = arith.constant 0 : i32
    %dma_wait3A_22 = tpu.memref_slice %arg4[%mul3A_2, %dma_wait3A] : memref<819200x128xf32, #tpu.memory_space<hbm>> -> memref<128x128xf32, #tpu.memory_space<hbm>>
    %dma_wait3A_23 = arith.constant 0 : i32
    %dma_wait3A_24 = tpu.memref_slice %arg4[%mul3A_2, %dma_wait3A_23] : memref<819200x128xf32, #tpu.memory_space<hbm>> -> memref<128x128xf32, #tpu.memory_space<hbm>>
    tpu.wait_dma2 semaphore(%arg16 : memref<!tpu.dma_semaphore, #tpu.memory_space<semaphore_mem>>) src(%arg6 : memref<128x128xf32, #tpu.memory_space<vmem>>) dst(%dma_wait3A_24 : memref<128x128xf32, #tpu.memory_space<hbm>>)
    %dma_wait3A_25 = arith.constant 0 : i32
    %dma_wait3A_26 = tpu.memref_slice %arg4[%mul3A_2, %dma_wait3A_25] : memref<819200x128xf32, #tpu.memory_space<hbm>> -> memref<128x128xf32, #tpu.memory_space<hbm>>
    %dma_wait3A_27 = arith.constant 0 : i32
    %dma_wait3A_28 = tpu.memref_slice %arg4[%mul3A_2, %dma_wait3A_27] : memref<819200x128xf32, #tpu.memory_space<hbm>> -> memref<128x128xf32, #tpu.memory_space<hbm>>
    tpu.wait_dma2 semaphore(%arg17 : memref<!tpu.dma_semaphore, #tpu.memory_space<semaphore_mem>>) src(%arg7 : memref<128x128xf32, #tpu.memory_space<vmem>>) dst(%dma_wait3A_28 : memref<128x128xf32, #tpu.memory_space<hbm>>)
    %dma_wait3A_29 = arith.constant 0 : i32
    %dma_wait3A_30 = tpu.memref_slice %arg4[%mul3A_2, %dma_wait3A_29] : memref<819200x128xf32, #tpu.memory_space<hbm>> -> memref<128x128xf32, #tpu.memory_space<hbm>>
    %dma_wait3A_31 = arith.constant 0 : i32
    %dma_wait3A_32 = tpu.memref_slice %arg4[%mul3A_2, %dma_wait3A_31] : memref<819200x128xf32, #tpu.memory_space<hbm>> -> memref<128x128xf32, #tpu.memory_space<hbm>>
    tpu.wait_dma2 semaphore(%arg18 : memref<!tpu.dma_semaphore, #tpu.memory_space<semaphore_mem>>) src(%arg8 : memref<128x128xf32, #tpu.memory_space<vmem>>) dst(%dma_wait3A_32 : memref<128x128xf32, #tpu.memory_space<hbm>>)
    %dma_wait3A_33 = arith.constant 0 : i32
    %dma_wait3A_34 = tpu.memref_slice %arg4[%mul3A_2, %dma_wait3A_33] : memref<819200x128xf32, #tpu.memory_space<hbm>> -> memref<128x128xf32, #tpu.memory_space<hbm>>
    %dma_wait3A_35 = arith.constant 0 : i32
    %dma_wait3A_36 = tpu.memref_slice %arg4[%mul3A_2, %dma_wait3A_35] : memref<819200x128xf32, #tpu.memory_space<hbm>> -> memref<128x128xf32, #tpu.memory_space<hbm>>
    tpu.wait_dma2 semaphore(%arg19 : memref<!tpu.dma_semaphore, #tpu.memory_space<semaphore_mem>>) src(%arg9 : memref<128x128xf32, #tpu.memory_space<vmem>>) dst(%dma_wait3A_36 : memref<128x128xf32, #tpu.memory_space<hbm>>)
    %dma_wait3A_37 = arith.constant 0 : i32
    %dma_wait3A_38 = tpu.memref_slice %arg4[%mul3A_2, %dma_wait3A_37] : memref<819200x128xf32, #tpu.memory_space<hbm>> -> memref<128x128xf32, #tpu.memory_space<hbm>>
    %dma_wait3A_39 = arith.constant 0 : i32
    %dma_wait3A_40 = tpu.memref_slice %arg4[%mul3A_2, %dma_wait3A_39] : memref<819200x128xf32, #tpu.memory_space<hbm>> -> memref<128x128xf32, #tpu.memory_space<hbm>>
    tpu.wait_dma2 semaphore(%arg20 : memref<!tpu.dma_semaphore, #tpu.memory_space<semaphore_mem>>) src(%arg10 : memref<128x128xf32, #tpu.memory_space<vmem>>) dst(%dma_wait3A_40 : memref<128x128xf32, #tpu.memory_space<hbm>>)
    return
  }
}

</mosaic_0001>

<sc_bundles>
// kernel: kernel.3.cloned.1.call-start
scs
__scs_entry_jumppad:
0x0: {  	(pc) =	sbr.rel $0x88, $3  }
0x1: {  	(tag) =	ssettag $0x0;
	lr =	simm.s32 $0x1  }
0x2: {  	[smem:$0x3F9F] =	sst lr;
	_ =	strace $0xD0000000  }
0x3: {  	_ = 	snop  }
0x4: {  	_ = 	snop  }
0x5: {  	_ = 	snop  }
0x6: {  	_ = 	snop  }
0x7: {  	_ = 	snop  }
__scs_overlays_trampoline_lowered:
0x8: {  	[smem:$0x3FAE] =	sst s0  }
0x9: {  	[smem:$0x3FAF] =	sst s1  }
0xa: {  	[smem:$0x3FB0] =	sst s2  }
0xb: {  	[smem:$0x3FB1] =	sst s3  }
0xc: {  	[smem:$0x3FB2] =	sst s4  }
0xd: {  	[smem:$0x3FB3] =	sst s5  }
0xe: {  	[smem:$0x3FB4] =	sst s6  }
0xf: {  	[smem:$0x3FB5] =	sst s7  }
0x10: {  	[smem:$0x3FB6] =	sst s8  }
0x11: {  	[smem:$0x3FB7] =	sst s9;
	s0 =	simm.s32 @!p0 $0x0  }
0x12: {  	s1 =	sld [smem:$0x3F9D];
	s0 =	simm.s32 @p0 $0x1  }
0x13: {  	[smem:$0x3FB8] =	sst s0;
	s0 =	simm.s32 @!p1 $0x0  }
0x14: {  	s2 =	sld [smem:$0x3F9C];
	s0 =	simm.s32 @p1 $0x1  }
0x15: {  	[smem:$0x3FB9] =	sst s0;
	s0 =	simm.s32 @!p2 $0x0  }
0x16: {  	s3 =	sld [smem:$0x3FDB];
	s0 =	simm.s32 @p2 $0x1  }
0x17: {  	s4 =	simm.s32 $0x1BF5;
	[smem:$0x3FBB] =	sst s0  }
0x18: {  	s0 =	sld [smem:$0x3F9E];
	_ =	swait.ge [sflag:s4], $0x0  }
0x19: {  	s7 =	sld [smem:$0x3F9F]  }
0x1a: {  	s8 =	sadd.s32 $0xFFFFE003, lr  }
0x1b: {  	s9 =	sadd.s32 $0xFFFFFEF7, lr;
	s5 =	simm.s32 $0xFFFFFFFF;
	p2 =	slt.u32 s8, $0xFFFFF086  }
0x1c: {  	p1 =	slt.u32 s9, $0xF7A;
	s5 =	simm.s32 @!p2 $0x0  }
0x1d: {  	s5 =	simm.s32 @p1 $0x1;
	p0 =	seq.s32 s7, s2  }
0x1e: {  	s7 =	smul.u32 @!p0 $0xF7A, s2;
	p2 =	seq.s32 @!p0 s5, $0x0  }
0x1f: {  	s9 =	smul.u32 $0xF7A, s1;
	s8 =	simm.s32 @!p0 $0x1BF5;
	p2 =	por !p2, p0  }
0x20: {  	[sflag:s8] =	ssyncset.s32 @!p0 $0xFFFFF086;
	s6 =	sadd.s32 @!p0 s3, s7;
	s7 =	simm.s32 @!p0 $0x108  }
0x21: {  	s3 =	sadd.s32 s3, s9;
	s6 =	sadd.s32 @!p0 $0x88, s6;
	s7 =	simm.s32 @p2 $0x1082  }
0x22: {  	[simem:s7], [sflag:s8] =	dma.local @!p0 [hbm:s6], $0xF7A  }
0x23: {  	s9 =	sor.u32 $0xD0000000, s2;
	s6 =	simm.s32 $0x108;
	_ =	swait.ge @!p0 [sflag:s8], $0x0  }
0x24: {  	s3 =	sadd.s32 $0x88, s3;
	s6 =	simm.s32 @!p1 $0x1082;
	[sflag:s4] =	ssyncset.s32 $0xFFFFF086  }
0x25: {  	[simem:s6], [sflag:s4] =	dma.local [hbm:s3], $0xF7A  }
0x26: {  	[smem:$0x3F9F] =	sst s1;
	(tag) =	ssettag s2;
	_ =	strace s9  }
0x27: {  	s1 =	sld [smem:$0x3FAF]  }
0x28: {  	s2 =	sld [smem:$0x3FB0]  }
0x29: {  	s4 =	sld [smem:$0x3FB2]  }
0x2a: {  	p0 =	seq.s32 s5, $0x0;
	s5 =	sld [smem:$0x3FB3]  }
0x2b: {  	s6 =	sld [smem:$0x3FB4]  }
0x2c: {  	s7 =	sld [smem:$0x3FB5]  }
0x2d: {  	s3 =	simm.s32 $0x108;
	s8 =	sld [smem:$0x3FB6]  }
0x2e: {  	s3 =	simm.s32 @!p0 $0x1082;
	s9 =	sld [smem:$0x3FB7]  }
0x2f: {  	lr =	sadd.s32 s0, s3;
	s0 =	sld [smem:$0x3FAE]  }
0x30: {  	s3 =	sld [smem:$0x3FB1]  }
0x31: {  	[smem:$0x3FBA] =	sst s10  }
0x32: {  	s10 =	sld [smem:$0x3FB8];
	_ =	sdelay $0x3  }
0x33: {  	p0 =	seq.s32 s10, $0x1;
	s10 =	sld [smem:$0x3FBA];
	_ =	sdelay $0x3  }
0x34: {  	[smem:$0x3FBA] =	sst s10  }
0x35: {  	s10 =	sld [smem:$0x3FB9];
	_ =	sdelay $0x3  }
0x36: {  	p1 =	seq.s32 s10, $0x1;
	s10 =	sld [smem:$0x3FBA];
	_ =	sdelay $0x3  }
0x37: {  	[smem:$0x3FBA] =	sst s10  }
0x38: {  	s10 =	sld [smem:$0x3FBB]  }
0x39: {  	_ = 	snop;
	(pc) =	sbr.ind lr, $3  }
0x3a: {  	_ = 	snop  }
0x3b: {  	_ = 	snop  }
0x3c: {  	p2 =	seq.s32 s10, $0x1;
	s10 =	sld [smem:$0x3FBA]  }
0x3d: {  	_ =	shalt  }
0x3e: {  	_ =	shalt  }
0x3f: {  	_ =	shalt  }
0x40: {  	_ =	shalt  }
0x41: {  	_ =	shalt  }
0x42: {  	_ =	shalt  }
0x43: {  	_ =	shalt  }
0x44: {  	_ =	shalt  }
0x45: {  	_ =	shalt  }
0x46: {  	_ =	shalt  }
0x47: {  	_ =	shalt  }
0x48: {  	_ =	shalt  }
0x49: {  	_ =	shalt  }
0x4a: {  	_ =	shalt  }
0x4b: {  	_ =	shalt  }
0x4c: {  	_ =	shalt  }
0x4d: {  	_ =	shalt  }
0x4e: {  	_ =	shalt  }
0x4f: {  	_ =	shalt  }
0x50: {  	_ =	shalt  }
0x51: {  	_ =	shalt  }
0x52: {  	_ =	shalt  }
0x53: {  	_ =	shalt  }
0x54: {  	_ =	shalt  }
0x55: {  	_ =	shalt  }
0x56: {  	_ =	shalt  }
0x57: {  	_ =	shalt  }
0x58: {  	_ =	shalt  }
0x59: {  	_ =	shalt  }
0x5a: {  	_ =	shalt  }
0x5b: {  	_ =	shalt  }
0x5c: {  	_ =	shalt  }
0x5d: {  	_ =	shalt  }
0x5e: {  	_ =	shalt  }
0x5f: {  	_ =	shalt  }
0x60: {  	_ =	shalt  }
0x61: {  	_ =	shalt  }
0x62: {  	_ =	shalt  }
0x63: {  	_ =	shalt  }
0x64: {  	_ =	shalt  }
0x65: {  	_ =	shalt  }
0x66: {  	_ =	shalt  }
0x67: {  	_ =	shalt  }
0x68: {  	_ =	shalt  }
0x69: {  	_ =	shalt  }
0x6a: {  	_ =	shalt  }
0x6b: {  	_ =	shalt  }
0x6c: {  	_ =	shalt  }
0x6d: {  	_ =	shalt  }
0x6e: {  	_ =	shalt  }
0x6f: {  	_ =	shalt  }
0x70: {  	_ =	shalt  }
0x71: {  	_ =	shalt  }
0x72: {  	_ =	shalt  }
0x73: {  	_ =	shalt  }
0x74: {  	_ =	shalt  }
0x75: {  	_ =	shalt  }
0x76: {  	_ =	shalt  }
0x77: {  	_ =	shalt  }
0x78: {  	_ =	shalt  }
0x79: {  	_ =	shalt  }
0x7a: {  	_ =	shalt  }
0x7b: {  	_ =	shalt  }
0x7c: {  	_ =	shalt  }
0x7d: {  	_ =	shalt  }
0x7e: {  	_ =	shalt  }
0x7f: {  	_ =	shalt  }
0x80: {  	_ =	shalt  }
0x81: {  	_ =	shalt  }
0x82: {  	_ =	shalt  }
0x83: {  	_ =	shalt  }
0x84: {  	_ =	shalt  }
0x85: {  	_ =	shalt  }
0x86: {  	_ =	shalt  }
0x87: {  	_ =	shalt  }
.Lfunc_end0:
.L_simem_size_0:
called_computation_lowered:
.L_overlay_start_0:
0x88: {  	s2 =	sld [smem:$0x3FD9]  }
0x89: {  	s3 =	sld [smem:$0x3FFE];
	_ =	sdelay $0x1  }
0x8a: {  	s1 =	srdreg.scid  }
0x8b: {  	s0 =	sand.u32 $0x1, s1  }
0x8c: {  	s17 =	sshll.u32 s0, $0xA;
	s2 =	sadd.s32 s3, s2  }
0x8d: {  	s2 =	sadd.s32 s2, s17  }
0x8e: {  	[smem:$0x3FC6] =	sst s2  }
0x8f: {  	_ = 	snop  }
0x90: {  	s2 =	sld [smem:$0x3FC8]  }
0x91: {  	s18 =	sld [smem:$0x3FD0];
	(tm) =	ssettm $0x1  }
0x92: {  	s4 =	sld [smem:$0x3FFB];
	_ =	sdelay $0x3  }
0x93: {  	_ =	strace s4  }
0x94: {  	s4 =	sld [smem:$0x3FFC];
	_ =	sdelay $0x3  }
0x95: {  	_ =	strace s4  }
0x96: {  	s4 =	sld [smem:$0x3FFD];
	_ =	sdelay $0x3  }
0x97: {  	_ =	strace s4  }
0x98: {  	_ =	strace $0x8FFFFFFF  }
0x99: {  	s19 =	sld [smem:$0x3FDB];
	_ =	sdelay $0x1  }
0x9a: {  	s5 =	simm.s32 $_scs_section_size  }
0x9b: {  	s6 =	simm.s32 $_size__tile_overlayer_lowered;
	s7 =	simm.s32 $_tile_overlayer_lowered  }
0x9c: {  	s22 =	simm.s32 $0x1BFF;
	s21 =	sshll.u32 s7, $0x1;
	s4 =	sadd.s32 s5, s19  }
0x9d: {  	s8 =	simm.s32 $0x0;
	s20 =	sshll.u32 s6, $0x1;
	s6 =	sadd.s32 s21, s4  }
0x9e: {  	[timem:s8], [sflag:s22] =	dma.local [hbm:s6], s20  }
0x9f: {  	_ =	swait.ge [sflag:s22], s20  }
0xa0: {  	s5 =	ssub.s32 $0x0, s20;
	[sflag:s22] =	ssyncset.done $0x0  }
0xa1: {  	[sflag:s22] =	ssyncadd.s32 s5;
	_ =	sdelay $0x1  }
0xa2: {  	s23 =	simm.s32 $0x1B8B  }
0xa3: {  	_ =	swait.ge [sflag:s23], $0x1  }
0xa4: {  	[sflag:s23] =	ssyncset.done $0x0  }
0xa5: {  	s25 =	simm.s32 $0x1B8E;
	s24 =	sld [smem:$0x3FFE];
	[sflag:s23] =	ssyncadd.s32 $0xFFFFFFFF  }
0xa6: {  	s26 =	simm.s32 $execute0_lowered;
	[smem:$0x3FD2] =	sst s25  }
0xa7: {  	s6 =	sshll.u32 s26, $0x1;
	_ =	strace $0x80000046;
	[dreg:$0x1] =	wrdreg $0xFFFFFFFF  }
0xa8: {  	s28 =	simm.s32 $_size_execute0_lowered;
	s4 =	sadd.s32 s4, s6;
	[dreg:$0x0] =	wrdreg $0x0  }
0xa9: {  	s6 =	sshll.u32 s28, $0x1;
	[dreg:$0x2] =	wrdreg s4  }
0xaa: {  	[dreg:$0x3] =	wrdreg s6  }
0xab: {  	[dreg:$0x4] =	wrdreg $0xC0  }
0xac: {  	_ =	task [dreg:s8], $0x5FFFF  }
0xad: {  	[dreg:$0x1] =	wrdreg $0xFFFFFFFF  }
0xae: {  	[dreg:$0x0] =	wrdreg $0x60  }
0xaf: {  	[dreg:$0x2] =	wrdreg s24  }
0xb0: {  	[dreg:$0x3] =	wrdreg s2  }
0xb1: {  	[dreg:$0x4] =	wrdreg s18  }
0xb2: {  	[dreg:$0x5] =	wrdreg $0x9  }
0xb3: {  	_ =	task.clear_ibuf [dreg:s8], $0x6FFFF;
	_ =	strace $0x90000046  }
0xb4: {  	s29 =	simm.s32 $0x9;
	_ =	strace $0x80000048  }
0xb5: {  	_ =	swait.ge [sflag:s29], $0x1  }
0xb6: {  	[sflag:s29] =	ssyncadd.s32 $0xFFFFFFFF  }
0xb7: {  	_ =	strace $0x90000048  }
0xb8: {  	_ =	sfence  }
0xb9: {  	s30 =	sld [smem:$0x0];
	_ =	sdelay $0x2  }
0xba: {  	s31 =	sshll.u32 s1, $0xD;
	s1 =	sshrl.u32 s1, $0x2  }
0xbb: {  	s3 =	sand.u32 $0x4000, s31;
	s1 =	sadd.s32 s1, s30  }
0xbc: {  	s0 =	sor.u32 s3, s0;
	s1 =	sshll.u32 s1, $0x11  }
0xbd: {  	s0 =	sor.u32 s1, s0  }
0xbe: {  	s0 =	sadd.s32 $0x8F2B, s0  }
0xbf: {  	[sflag:s0] =	ssyncadd.remote.s32 $0x1  }
0xc0: {  	_ =	sfence.sel $0xFFFF  }
0xc1: {  	[dreg:$0x0] =	wrdreg $0xFFFFFFFF;
	(pc) =	sbr.abs _section_cstart, $3  }
0xc2: {  	[dreg:$0x1] =	wrdreg $0xFFFFFFFF  }
0xc3: {  	_ =	task.clear_ibuf [dreg:s8], $0x2FFFF;
	_ =	strace $0x9FFFFFFF  }
0xc4: {  	(tm) =	ssettm $0x7FFFFFFF  }
0xc5: {  	_ =	shalt  }
tec
execute0_lowered:
.L_overlay_start_1:
0x0: {  	(tag) =	ssettag $0x1  }
0x1: {  	s5 =	rddreg [dreg:$0x0]  }
0x2: {  	s1 =	srdreg.scid;
	s2 =	rddreg [dreg:$0x1]  }
0x3: {  	s0 =	stileid.u32;
	s3 =	rddreg [dreg:$0x2];
	s4 =	simm.s32 $0x0  }
0x4: {  	s14 =	simm.s32 $0x12400;
	s15 =	simm.s32 $0x1;
	s16 =	simm.s32 $0x16400  }
0x5: {  	s17 =	simm.s32 $0x2;
	s18 =	simm.s32 $0x4;
	s9 =	smul.u32 $0x640000, s0  }
0x6: {  	s19 =	simm.s32 $0x5;
	s6 =	sand.u32 $0x1, s1;
	s25 =	smul.u32 $0xC8000, s0  }
0x7: {  	s21 =	simm.s32 $0x7;
	s23 =	sshll.u32 s0, $0x1;
	s11 =	smul.u32 $0x320000, s6  }
0x8: {  	[smem:$0x7FF] =	sst s4;
	s7 =	sor.u32 s6, s23;
	s28 =	smul.u32 $0x64000, s6  }
0x9: {  	s22 =	simm.s32 $0x8;
	_ =	strace $0x80000047;
	s8 =	smul.u32 $0x6400, s7  }
0xa: {  	s10 =	ssub.s32 $0x2, s6;
	s23 =	simm.s32 $0x9;
	s7 =	smul.u32 $0x64000, s7  }
0xb: {  	s24 =	sshrl.u32 s10, $0x1;
	s9 =	sadd.s32 s11, s9;
	s11 =	simm.s32 $0xA400  }
0xc: {  	s8 =	sshrl.u32 s8, $0x3;
	s7 =	sadd.s32 s3, s7;
	s26 =	sor.u32 $0x10000, s9  }
0xd: {  	s9 =	sor.u32 $0xC000, s9;
	s5 =	sadd.s32 s8, s5;
	s7 =	sadd.s32 $0x62800, s7  }
0xe: {  	s8 =	ssub.s32 s10, s24;
	s29 =	sshrl.u32 s26, $0x3;
	[dreg:$0x4] =	wrdreg s7  }
0xf: {  	s9 =	sshrl.u32 s9, $0x3;
	s10 =	simm.s32 $0x6400;
	[dreg:$0x6] =	wrdreg s29  }
0x10: {  	s24 =	simm.s32 $0xA;
	s30 =	sadd.s32 $0x400, s5;
	[dreg:$0x5] =	wrdreg s9  }
0x11: {  	s31 =	smax.u32 s8, $0x1;
	s7 =	sadd.s32 s28, s25;
	[dreg:$0x7] =	wrdreg s30  }
0x12: {  	s9 =	simm.s32 $0x80;
	s25 =	simm.s32 $0x0;
	[dreg:$0x8] =	wrdreg s31  }
.LBB2_1:
0x13: {  	s0 =	rddreg [dreg:$0x7];
	s6 =	simm.s32 $0xB  }
0x14: {  	[tilespmem:s4], [sflag:$0xB] =	stream.linear.gather [hbm4b:s0+s4], $0x6400, $0x38;
	[tilespmem:$0x1A400] =	vst v63  }
0x15: {  	_ =	swait.ge [sflag:s6], $0x6400  }
0x16: {  	[sflag:s6] =	ssyncset.done $0x0  }
0x17: {  	p0 =	por $0x1, $0x1;
	[sflag:s6] =	ssyncadd.s32 $0xFFFF9C00  }
0x18: {  	[tilespmem:s10], [sflag:$0x1] =	stream.indirect.gather [hbm4b:s2+s9], $0x80, s4, s9, $0xb8;
	[tilespmem:$0x1A400] =	vst v63  }
0x19: {  	p0 =	por p0, p0  }
0x1a: {  	[tilespmem:s11], [sflag:$0x2] =	stream.indirect.gather [hbm4b:s2+s9], $0x80, s9, s9, $0xb8;
	[tilespmem:$0x1A400] =	vst v63  }
0x1b: {  	s8 =	simm.s32 $0x100;
	s1 =	simm.s32 $0xE400;
	s26 =	simm.s32 @!p0 $0x9  }
0x1c: {  	[tilespmem:s1], [sflag:$0x3] =	stream.indirect.gather [hbm4b:s2+s9], $0x80, s8, s9, $0xb8;
	[tilespmem:$0x1A400] =	vst v63  }
0x1d: {  	_ =	swait.ge @!p0 [sflag:s26], $0x4000  }
0x1e: {  	[sflag:s26] =	ssyncset.done @!p0 $0x0  }
0x1f: {  	s12 =	simm.s32 $0x180;
	[sflag:s26] =	ssyncadd.s32 @!p0 $0xFFFFC000  }
0x20: {  	[tilespmem:s14], [sflag:$0x4] =	stream.indirect.gather [hbm4b:s2+s9], $0x80, s12, s9, $0xb8;
	[tilespmem:$0x1A400] =	vst v63  }
0x21: {  	_ =	swait.ge [sflag:s15], $0x4000  }
0x22: {  	[sflag:s15] =	ssyncset.done $0x0  }
0x23: {  	s13 =	sadd.s32 s3, s7;
	s28 =	simm.s32 @!p0 $0xA;
	[sflag:s15] =	ssyncadd.s32 $0xFFFFC000  }
0x24: {  	[hbm4b:s13+s4] =	stream.linear.scatter [tilespmem:s10], [sflag:$0x6], $0x4000, $0x38;
	[tilespmem:$0x1A400] =	vst v63  }
0x25: {  	_ =	swait.ge @!p0 [sflag:s28], $0x4000  }
0x26: {  	[sflag:s28] =	ssyncset.done @!p0 $0x0  }
0x27: {  	[sflag:s28] =	ssyncadd.s32 @!p0 $0xFFFFC000;
	s28 =	simm.s32 $0x200  }
0x28: {  	[tilespmem:s16], [sflag:$0x5] =	stream.indirect.gather [hbm4b:s2+s9], $0x80, s28, s9, $0xb8;
	[tilespmem:$0x1A400] =	vst v63  }
0x29: {  	_ =	swait.ge [sflag:s17], $0x4000  }
0x2a: {  	[sflag:s17] =	ssyncset.done $0x0  }
0x2b: {  	s26 =	sadd.s32 $0x800, s13;
	p0 =	por $0x0, $0x0;
	[sflag:s17] =	ssyncadd.s32 $0xFFFFC000  }
0x2c: {  	[hbm4b:s26+s4] =	stream.linear.scatter [tilespmem:s11], [sflag:$0x7], $0x4000, $0x38;
	[tilespmem:$0x1A400] =	vst v63  }
0x2d: {  	s26 =	simm.s32 @p0 $0x3  }
0x2e: {  	_ =	swait.ge @p0 [sflag:s26], $0x4000  }
0x2f: {  	s29 =	simm.s32 @p0 $0xE400;
	s30 =	simm.s32 @!p0 $0x6;
	[sflag:s26] =	ssyncset.done @p0 $0x0  }
0x30: {  	s28 =	rddreg [dreg:$0x4];
	[sflag:s26] =	ssyncadd.s32 @p0 $0xFFFFC000;
	s26 =	simm.s32 @p0 $0x0  }
0x31: {  	[hbm4b:s28+s26] =	stream.linear.scatter @p0 [tilespmem:s29], [sflag:$0x8], $0x4000, $0x38;
	[tilespmem:$0x1A400] =	vst v63  }
0x32: {  	_ =	swait.ge @!p0 [sflag:s30], $0x4000  }
0x33: {  	s26 =	simm.s32 @!p0 $0x280;
	s28 =	simm.s32 @!p0 $0x80;
	[sflag:s30] =	ssyncset.done @!p0 $0x0  }
0x34: {  	s29 =	simm.s32 @!p0 $0x6400;
	[sflag:s30] =	ssyncadd.s32 @!p0 $0xFFFFC000;
	s30 =	simm.s32 @!p0 $0x3  }
0x35: {  	[tilespmem:s29], [sflag:$0x1] =	stream.indirect.gather @!p0 [hbm4b:s2+s28], $0x80, s26, s28, $0xb8;
	[tilespmem:$0x1A400] =	vst v63  }
0x36: {  	s31 =	simm.s32 @!p0 $0xE400;
	_ =	swait.ge @!p0 [sflag:s30], $0x4000  }
0x37: {  	s26 =	sadd.s32 @!p0 s3, s7;
	s29 =	simm.s32 @!p0 $0x0;
	[sflag:s30] =	ssyncset.done @!p0 $0x0  }
0x38: {  	s26 =	sadd.s32 @!p0 $0x1000, s26;
	[sflag:s30] =	ssyncadd.s32 @!p0 $0xFFFFC000;
	s30 =	simm.s32 @!p0 $0x7  }
0x39: {  	[hbm4b:s26+s29] =	stream.linear.scatter @!p0 [tilespmem:s31], [sflag:$0x8], $0x4000, $0x38;
	[tilespmem:$0x1A400] =	vst v63  }
0x3a: {  	_ =	swait.ge @!p0 [sflag:s30], $0x4000  }
0x3b: {  	[sflag:s30] =	ssyncset.done @!p0 $0x0  }
0x3c: {  	s26 =	simm.s32 @!p0 $0x300;
	s29 =	simm.s32 @!p0 $0xA400;
	[sflag:s30] =	ssyncadd.s32 @!p0 $0xFFFFC000  }
0x3d: {  	[tilespmem:s29], [sflag:$0x2] =	stream.indirect.gather @!p0 [hbm4b:s2+s28], $0x80, s26, s28, $0xb8;
	[tilespmem:$0x1A400] =	vst v63  }
0x3e: {  	_ =	swait.ge [sflag:s18], $0x4000  }
0x3f: {  	s20 =	rddreg [dreg:$0x5];
	[sflag:s18] =	ssyncset.done $0x0  }
0x40: {  	s29 =	simm.s32 @!p0 $0x8;
	[sflag:s18] =	ssyncadd.s32 $0xFFFFC000;
	s26 =	sadd.s32 s3, s20  }
0x41: {  	[hbm4b:s26+s4] =	stream.linear.scatter [tilespmem:s14], [sflag:$0x9], $0x4000, $0x38;
	[tilespmem:$0x1A400] =	vst v63  }
0x42: {  	_ =	swait.ge @!p0 [sflag:s29], $0x4000  }
0x43: {  	[sflag:s29] =	ssyncset.done @!p0 $0x0  }
0x44: {  	p6 =	por $0x0, $0x0;
	s26 =	simm.s32 @!p0 $0x380;
	[sflag:s29] =	ssyncadd.s32 @!p0 $0xFFFFC000  }
0x45: {  	[tilespmem:s31], [sflag:$0x3] =	stream.indirect.gather @!p0 [hbm4b:s2+s28], $0x80, s26, s28, $0xb8;
	[tilespmem:$0x1A400] =	vst v63  }
0x46: {  	s30 =	smov.u32 s3;
	s29 =	simm.s32 $0x1400;
	_ =	swait.ge [sflag:s19], $0x4000  }
0x47: {  	s28 =	simm.s32 $0xA00;
	p0 =	por p6, p6;
	[sflag:s19] =	ssyncset.done $0x0  }
0x48: {  	s26 =	sadd.s32 $0x2800, s3;
	s31 =	rddreg [dreg:$0x6];
	[sflag:s19] =	ssyncadd.s32 $0xFFFFC000  }
.LBB2_2:
0x49: {  	s1 =	simm.s32 @!p0 $0x9;
	s30 =	sadd.s32 s30, s31  }
0x4a: {  	[hbm4b:s30+s4] =	stream.linear.scatter [tilespmem:s16], [sflag:$0xA], $0x4000, $0x38;
	[tilespmem:$0x1A400] =	vst v63  }
0x4b: {  	_ =	swait.ge @!p0 [sflag:s1], $0x4000  }
0x4c: {  	s0 =	sshra.s32 s28, $0x2;
	[sflag:s1] =	ssyncset.done @!p0 $0x0  }
0x4d: {  	s6 =	sadd.s32 $0x180, s0;
	[sflag:s1] =	ssyncadd.s32 @!p0 $0xFFFFC000  }
0x4e: {  	[tilespmem:s14], [sflag:$0x4] =	stream.indirect.gather [hbm4b:s2+s9], $0x80, s6, s9, $0xb8;
	[tilespmem:$0x1A400] =	vst v63  }
0x4f: {  	_ =	swait.ge [sflag:s15], $0x4000  }
0x50: {  	[sflag:s15] =	ssyncset.done $0x0  }
0x51: {  	s8 =	sadd.s32 s26, s7;
	s12 =	simm.s32 @!p0 $0xA;
	[sflag:s15] =	ssyncadd.s32 $0xFFFFC000  }
0x52: {  	[hbm4b:s8+s4] =	stream.linear.scatter [tilespmem:s10], [sflag:$0x6], $0x4000, $0x38;
	[tilespmem:$0x1A400] =	vst v63  }
0x53: {  	_ =	swait.ge @!p0 [sflag:s12], $0x4000  }
0x54: {  	[sflag:s12] =	ssyncset.done @!p0 $0x0  }
0x55: {  	s0 =	sadd.s32 $0x200, s0;
	[sflag:s12] =	ssyncadd.s32 @!p0 $0xFFFFC000  }
0x56: {  	[tilespmem:s16], [sflag:$0x5] =	stream.indirect.gather [hbm4b:s2+s9], $0x80, s0, s9, $0xb8;
	[tilespmem:$0x1A400] =	vst v63  }
0x57: {  	p2 =	seq.s32 s29, $0x0;
	_ =	swait.ge [sflag:s17], $0x4000  }
0x58: {  	p0 =	por p2, p2;
	p2 =	seq.s32 s28, $0x18600;
	[sflag:s17] =	ssyncset.done $0x0  }
0x59: {  	s13 =	sadd.s32 $0x800, s8;
	s0 =	simm.s32 @p2 $0x3;
	[sflag:s17] =	ssyncadd.s32 $0xFFFFC000  }
0x5a: {  	[hbm4b:s13+s4] =	stream.linear.scatter [tilespmem:s11], [sflag:$0x7], $0x4000, $0x38;
	[tilespmem:$0x1A400] =	vst v63  }
0x5b: {  	_ =	swait.ge @p2 [sflag:s0], $0x4000  }
0x5c: {  	s8 =	simm.s32 @p2 $0xE400;
	s20 =	simm.s32 @!p2 $0x6;
	[sflag:s0] =	ssyncset.done @p2 $0x0  }
0x5d: {  	s5 =	rddreg [dreg:$0x4];
	[sflag:s0] =	ssyncadd.s32 @p2 $0xFFFFC000;
	s0 =	simm.s32 @p2 $0x0  }
0x5e: {  	[hbm4b:s5+s0] =	stream.linear.scatter @p2 [tilespmem:s8], [sflag:$0x8], $0x4000, $0x38;
	[tilespmem:$0x1A400] =	vst v63  }
0x5f: {  	s1 =	sshra.s32 @!p2 s28, $0x2;
	_ =	swait.ge @!p2 [sflag:s20], $0x4000  }
0x60: {  	s13 =	sadd.s32 @!p2 $0x280, s1;
	s0 =	simm.s32 @!p2 $0x80;
	[sflag:s20] =	ssyncset.done @!p2 $0x0  }
0x61: {  	s5 =	simm.s32 @!p2 $0x6400;
	s8 =	simm.s32 @!p2 $0x3;
	[sflag:s20] =	ssyncadd.s32 @!p2 $0xFFFFC000  }
0x62: {  	[tilespmem:s5], [sflag:$0x1] =	stream.indirect.gather @!p2 [hbm4b:s2+s0], $0x80, s13, s0, $0xb8;
	[tilespmem:$0x1A400] =	vst v63  }
0x63: {  	s12 =	sadd.s32 @!p2 s26, s7;
	_ =	swait.ge @!p2 [sflag:s8], $0x4000  }
0x64: {  	s12 =	sadd.s32 @!p2 $0x1000, s12;
	s5 =	simm.s32 @!p2 $0x0;
	[sflag:s8] =	ssyncset.done @!p2 $0x0  }
0x65: {  	s13 =	simm.s32 @!p2 $0xE400;
	[sflag:s8] =	ssyncadd.s32 @!p2 $0xFFFFC000;
	s8 =	simm.s32 @!p2 $0x7  }
0x66: {  	[hbm4b:s12+s5] =	stream.linear.scatter @!p2 [tilespmem:s13], [sflag:$0x8], $0x4000, $0x38;
	[tilespmem:$0x1A400] =	vst v63  }
0x67: {  	_ =	swait.ge @!p2 [sflag:s8], $0x4000  }
0x68: {  	[sflag:s8] =	ssyncset.done @!p2 $0x0  }
0x69: {  	s6 =	sadd.s32 @!p2 $0x300, s1;
	s5 =	simm.s32 @!p2 $0xA400;
	[sflag:s8] =	ssyncadd.s32 @!p2 $0xFFFFC000  }
0x6a: {  	[tilespmem:s5], [sflag:$0x2] =	stream.indirect.gather @!p2 [hbm4b:s2+s0], $0x80, s6, s0, $0xb8;
	[tilespmem:$0x1A400] =	vst v63  }
0x6b: {  	_ =	swait.ge [sflag:s18], $0x4000  }
0x6c: {  	s20 =	rddreg [dreg:$0x5];
	[sflag:s18] =	ssyncset.done $0x0  }
0x6d: {  	s6 =	simm.s32 @!p2 $0x8;
	[sflag:s18] =	ssyncadd.s32 $0xFFFFC000;
	s5 =	sadd.s32 s26, s20  }
0x6e: {  	[hbm4b:s5+s4] =	stream.linear.scatter [tilespmem:s14], [sflag:$0x9], $0x4000, $0x38;
	[tilespmem:$0x1A400] =	vst v63  }
0x6f: {  	s31 =	smov.u32 s29;
	s29 =	sadd.s32 $0xA00, s29;
	_ =	swait.ge @!p2 [sflag:s6], $0x4000  }
0x70: {  	p1 =	sne.s32 s29, $0x19000;
	[sflag:s6] =	ssyncset.done @!p2 $0x0  }
.Ltmp0:
0x71: {  	s1 =	sadd.s32 @!p2 $0x380, s1;
	[sflag:s6] =	ssyncadd.s32 @!p2 $0xFFFFC000;
	(pc) =	sbr.rel @p1 .LBB2_2-.Ltmp0, $4  }
0x72: {  	[tilespmem:s13], [sflag:$0x3] =	stream.indirect.gather @!p2 [hbm4b:s2+s0], $0x80, s1, s0, $0xb8;
	[tilespmem:$0x1A400] =	vst v63  }
0x73: {  	_ =	swait.ge [sflag:s19], $0x4000  }
0x74: {  	s30 =	smov.u32 s26;
	s28 =	smov.u32 s31;
	[sflag:s19] =	ssyncset.done $0x0  }
0x75: {  	s26 =	sadd.s32 $0x2800, s26;
	s31 =	rddreg [dreg:$0x6];
	[sflag:s19] =	ssyncadd.s32 $0xFFFFC000  }
0x76: {  	s0 =	simm.s32 @!p0 $0x9;
	s1 =	sadd.s32 s30, s31  }
0x77: {  	[hbm4b:s1+s4] =	stream.linear.scatter [tilespmem:s16], [sflag:$0xA], $0x4000, $0x38;
	[tilespmem:$0x1A400] =	vst v63  }
0x78: {  	_ =	swait.ge @!p0 [sflag:s0], $0x4000  }
0x79: {  	s12 =	sshra.s32 s28, $0x2;
	[sflag:s0] =	ssyncset.done @!p0 $0x0  }
0x7a: {  	s13 =	sadd.s32 $0x180, s12;
	[sflag:s0] =	ssyncadd.s32 @!p0 $0xFFFFC000  }
0x7b: {  	[tilespmem:s14], [sflag:$0x4] =	stream.indirect.gather [hbm4b:s2+s9], $0x80, s13, s9, $0xb8;
	[tilespmem:$0x1A400] =	vst v63  }
0x7c: {  	_ =	swait.ge [sflag:s15], $0x4000  }
0x7d: {  	[sflag:s15] =	ssyncset.done $0x0  }
0x7e: {  	s20 =	sadd.s32 s26, s7;
	s5 =	simm.s32 @!p0 $0xA;
	[sflag:s15] =	ssyncadd.s32 $0xFFFFC000  }
0x7f: {  	[hbm4b:s20+s4] =	stream.linear.scatter [tilespmem:s10], [sflag:$0x6], $0x4000, $0x38;
	[tilespmem:$0x1A400] =	vst v63  }
0x80: {  	_ =	swait.ge @!p0 [sflag:s5], $0x4000  }
0x81: {  	[sflag:s5] =	ssyncset.done @!p0 $0x0  }
0x82: {  	s1 =	sadd.s32 $0x200, s12;
	[sflag:s5] =	ssyncadd.s32 @!p0 $0xFFFFC000  }
0x83: {  	[tilespmem:s16], [sflag:$0x5] =	stream.indirect.gather [hbm4b:s2+s9], $0x80, s1, s9, $0xb8;
	[tilespmem:$0x1A400] =	vst v63  }
0x84: {  	_ =	swait.ge [sflag:s17], $0x4000  }
0x85: {  	[sflag:s17] =	ssyncset.done $0x0  }
0x86: {  	s0 =	sadd.s32 $0x800, s20;
	p0 =	seq.s32 s28, $0x18600;
	[sflag:s17] =	ssyncadd.s32 $0xFFFFC000  }
0x87: {  	[hbm4b:s0+s4] =	stream.linear.scatter [tilespmem:s11], [sflag:$0x7], $0x4000, $0x38;
	[tilespmem:$0x1A400] =	vst v63  }
0x88: {  	s0 =	simm.s32 @p0 $0x3  }
0x89: {  	_ =	swait.ge @p0 [sflag:s0], $0x4000  }
0x8a: {  	s5 =	simm.s32 @p0 $0xE400;
	s6 =	simm.s32 @!p0 $0x6;
	[sflag:s0] =	ssyncset.done @p0 $0x0  }
0x8b: {  	s1 =	rddreg [dreg:$0x4];
	[sflag:s0] =	ssyncadd.s32 @p0 $0xFFFFC000;
	s0 =	simm.s32 @p0 $0x0  }
0x8c: {  	[hbm4b:s1+s0] =	stream.linear.scatter @p0 [tilespmem:s5], [sflag:$0x8], $0x4000, $0x38;
	[tilespmem:$0x1A400] =	vst v63  }
0x8d: {  	s8 =	simm.s32 @!p0 $0x6400;
	_ =	swait.ge @!p0 [sflag:s6], $0x4000  }
0x8e: {  	s0 =	sshra.s32 @!p0 s28, $0x2;
	s5 =	simm.s32 @!p0 $0x80;
	[sflag:s6] =	ssyncset.done @!p0 $0x0  }
0x8f: {  	s1 =	sadd.s32 @!p0 $0x280, s0;
	[sflag:s6] =	ssyncadd.s32 @!p0 $0xFFFFC000;
	s6 =	simm.s32 @!p0 $0x3  }
0x90: {  	[tilespmem:s8], [sflag:$0x1] =	stream.indirect.gather @!p0 [hbm4b:s2+s5], $0x80, s1, s5, $0xb8;
	[tilespmem:$0x1A400] =	vst v63  }
0x91: {  	_ =	swait.ge @!p0 [sflag:s6], $0x4000  }
0x92: {  	s1 =	sadd.s32 @!p0 s26, s7;
	s8 =	simm.s32 @!p0 $0x0;
	[sflag:s6] =	ssyncset.done @!p0 $0x0  }
0x93: {  	s1 =	sadd.s32 @!p0 $0x1000, s1;
	[sflag:s6] =	ssyncadd.s32 @!p0 $0xFFFFC000;
	s6 =	simm.s32 @!p0 $0xE400  }
0x94: {  	[hbm4b:s1+s8] =	stream.linear.scatter @!p0 [tilespmem:s6], [sflag:$0x8], $0x4000, $0x38;
	[tilespmem:$0x1A400] =	vst v63  }
0x95: {  	s1 =	simm.s32 @!p0 $0x7  }
0x96: {  	_ =	swait.ge @!p0 [sflag:s1], $0x4000  }
0x97: {  	[sflag:s1] =	ssyncset.done @!p0 $0x0  }
0x98: {  	s8 =	sadd.s32 @!p0 $0x300, s0;
	[sflag:s1] =	ssyncadd.s32 @!p0 $0xFFFFC000;
	s1 =	simm.s32 @!p0 $0xA400  }
0x99: {  	[tilespmem:s1], [sflag:$0x2] =	stream.indirect.gather @!p0 [hbm4b:s2+s5], $0x80, s8, s5, $0xb8;
	[tilespmem:$0x1A400] =	vst v63  }
0x9a: {  	_ =	swait.ge [sflag:s18], $0x4000  }
0x9b: {  	s28 =	rddreg [dreg:$0x5];
	[sflag:s18] =	ssyncset.done $0x0  }
0x9c: {  	[sflag:s18] =	ssyncadd.s32 $0xFFFFC000;
	s1 =	sadd.s32 s26, s28  }
0x9d: {  	[hbm4b:s1+s4] =	stream.linear.scatter [tilespmem:s14], [sflag:$0x9], $0x4000, $0x38;
	[tilespmem:$0x1A400] =	vst v63  }
0x9e: {  	s1 =	simm.s32 @!p0 $0x8  }
0x9f: {  	_ =	swait.ge @!p0 [sflag:s1], $0x4000  }
0xa0: {  	[sflag:s1] =	ssyncset.done @!p0 $0x0  }
0xa1: {  	s0 =	sadd.s32 @!p0 $0x380, s0;
	[sflag:s1] =	ssyncadd.s32 @!p0 $0xFFFFC000  }
0xa2: {  	[tilespmem:s6], [sflag:$0x3] =	stream.indirect.gather @!p0 [hbm4b:s2+s5], $0x80, s0, s5, $0xb8;
	[tilespmem:$0x1A400] =	vst v63  }
0xa3: {  	_ =	swait.ge [sflag:s19], $0x4000  }
0xa4: {  	s29 =	rddreg [dreg:$0x6];
	[sflag:s19] =	ssyncset.done $0x0  }
0xa5: {  	s30 =	simm.s32 $0x6;
	s0 =	sadd.s32 s26, s29;
	[sflag:s19] =	ssyncadd.s32 $0xFFFFC000  }
0xa6: {  	[hbm4b:s0+s4] =	stream.linear.scatter [tilespmem:s16], [sflag:$0xA], $0x4000, $0x38;
	[tilespmem:$0x1A400] =	vst v63  }
0xa7: {  	_ =	swait.ge [sflag:s30], $0x4000  }
0xa8: {  	[sflag:s30] =	ssyncset.done $0x0  }
0xa9: {  	[sflag:s30] =	ssyncadd.s32 $0xFFFFC000  }
0xaa: {  	_ =	swait.ge [sflag:s21], $0x4000  }
0xab: {  	[sflag:s21] =	ssyncset.done $0x0  }
0xac: {  	[sflag:s21] =	ssyncadd.s32 $0xFFFFC000  }
0xad: {  	_ =	swait.ge [sflag:s22], $0x4000  }
0xae: {  	[sflag:s22] =	ssyncset.done $0x0  }
0xaf: {  	[sflag:s22] =	ssyncadd.s32 $0xFFFFC000  }
0xb0: {  	_ =	swait.ge [sflag:s23], $0x4000  }
0xb1: {  	[sflag:s23] =	ssyncset.done $0x0  }
0xb2: {  	[sflag:s23] =	ssyncadd.s32 $0xFFFFC000  }
0xb3: {  	_ =	swait.ge [sflag:s24], $0x4000  }
0xb4: {  	s25 =	sadd.s32 $0x1, s25;
	s31 =	rddreg [dreg:$0x8]  }
0xb5: {  	p0 =	sne.s32 s25, s31  }
.Ltmp1:
0xb6: {  	_ = 	snop;
	(pc) =	sbr.rel @p0 .LBB2_1-.Ltmp1, $3  }
0xb7: {  	_ =	sdelay $0x1  }
0xb8: {  	[sflag:s24] =	ssyncset.done $0x0  }
0xb9: {  	[sflag:s24] =	ssyncadd.s32 $0xFFFFC000  }
0xba: {  	_ =	sfence.sel $0x180000  }
0xbb: {  	[bflag:$0x0] =	sbarrier.arrive $0xFFFF  }
0xbc: {  	_ =	strace $0x90000047  }
0xbd: {  	s0 =	stileid.u32;
	[bflag:$0x2] =	sbarrier.arrive $0xFFFF  }
0xbe: {  	p0 =	sne.s32 s0, $0x0;
	s0 =	rddreg [dreg:$0x3]  }
0xbf: {  	s0 =	sadd.s32 @!p0 $0x100000, s0  }
0xc0: {  	[sflag:s0] =	ssyncadd.tile.s32 @!p0 $0x1;
	_ =	shalt  }
.Lfunc_end2:
_tile_overlayer_lowered:
.L_overlay_start_2:
0xc1: {  	(tag) =	ssettag $0x2  }
0xc2: {  	s0 =	rddreg [dreg:$0x0];
	s2 =	stileid.u32  }
0xc3: {  	s1 =	rddreg [dreg:$0x1];
	p0 =	sne.s32 s2, $0x0  }
0xc4: {  	s3 =	rddreg [dreg:$0x2];
	[bflag:$0x3] =	sbarrier.arrive $0xFFFF;
	s2 =	simm.s32 @!p0 $0x1C0B  }
0xc5: {  	[timem:s3], [sflag:s2] =	dma.local @!p0 [hbm:s0], s1  }
0xc6: {  	s0 =	simm.s32 @!p0 $0xB  }
0xc7: {  	_ =	swait.ge @!p0 [sflag:s0], s1  }
0xc8: {  	s1 =	ssub.s32 @!p0 $0x0, s1;
	[sflag:s0] =	ssyncset.done @!p0 $0x0  }
0xc9: {  	[sflag:s0] =	ssyncadd.s32 @!p0 s1  }
0xca: {  	[bflag:$0x3] =	sbarrier.arrive $0xFFFF  }
0xcb: {  	_ =	shalt  }

</sc_bundles>
